<compile_context>
chip_gen: v7x
topology: tpu7x:2x2x1
jax: 0.10.2.dev20260603
libtpu: 0.0.44.dev20260713+nightly
codegen_flags: <defaults>
</compile_context>

<pallas_src>
import jax
import jax.numpy as jnp
from jax import lax
from jax.experimental import pallas as pl
from jax.experimental.pallas import tpu as pltpu
from jax.experimental.pallas import tpu_sc as plsc

N = 10000
E = 320000
D = 128
NC = 2
NS = 16
NW = NC * NS
L = 16
CHUNK = 128
NCH = E // CHUNK
CHW = 79
EW = CHW * CHUNK
LAST_C0 = NCH - CHW


def _pq_body(h_ref, w_ref, b_ref, pq_ref):
    hmat = h_ref[:, :]
    w2 = w_ref[:, :]
    pq = lax.dot_general(w2, hmat, (((1,), (1,)), ((), ())),
                         preferred_element_type=jnp.float32)
    rowid = lax.broadcasted_iota(jnp.int32, (2, N), 0)
    pq_ref[:, :] = pq + jnp.where(rowid == 0, b_ref[0], 0.0)


def _norm_body(s_ref, mm_ref, o_ref):
    mn = jnp.min(mm_ref[:, 0])
    mx = jnp.max(mm_ref[:, 1])
    scale = 1.0 / (mx - mn)
    o_ref[...] = (s_ref[...] - mn) * scale


SEG1 = 40 * CHUNK
SEG2 = EW - SEG1


def _sc_body(pq_hbm, ei_hbm, s_hbm, mm_hbm, p_v, q_v, ei_v, s_v, mm_v,
             sem_a, sem_b, sem_w):
    wid = lax.axis_index("s") * NC + lax.axis_index("c")
    c0 = (wid * LAST_C0) // (NW - 1)
    base = c0 * CHUNK
    ca2 = pltpu.async_copy(pq_hbm.at[0], p_v, sem_a)
    ca3 = pltpu.async_copy(pq_hbm.at[1], q_v, sem_a)
    ca1 = pltpu.async_copy(ei_hbm.at[:, pl.ds(base, SEG1)],
                           ei_v.at[:, pl.ds(0, SEG1)], sem_a)
    cb = pltpu.async_copy(ei_hbm.at[:, pl.ds(base + SEG1, SEG2)],
                          ei_v.at[:, pl.ds(SEG1, SEG2)], sem_b)
    ca1.wait()
    ca2.wait()
    ca3.wait()

    init = (jnp.full((L,), jnp.inf, jnp.float32),
            jnp.full((L,), -jnp.inf, jnp.float32))

    @plsc.parallel_loop(0, SEG1 // L, unroll=4, carry=init)
    def _(i, carry):
        mn, mx = carry
        off = pl.multiple_of(i * L, L)
        si = ei_v[0, pl.ds(off, L)]
        di = ei_v[1, pl.ds(off, L)]
        sv = plsc.load_gather(p_v, [si]) + plsc.load_gather(q_v, [di])
        s_v[pl.ds(off, L)] = sv
        return jnp.minimum(mn, sv), jnp.maximum(mx, sv)

    mn1, mx1 = _
    cw1 = pltpu.async_copy(s_v.at[pl.ds(0, SEG1)],
                           s_hbm.at[0, pl.ds(base, SEG1)], sem_w)
    cb.wait()

    @plsc.parallel_loop(0, SEG2 // L, unroll=4, carry=(mn1, mx1))
    def _(i, carry):
        mn, mx = carry
        off = pl.multiple_of(SEG1 + i * L, L)
        si = ei_v[0, pl.ds(off, L)]
        di = ei_v[1, pl.ds(off, L)]
        sv = plsc.load_gather(p_v, [si]) + plsc.load_gather(q_v, [di])
        s_v[pl.ds(off, L)] = sv
        return jnp.minimum(mn, sv), jnp.maximum(mx, sv)

    mn, mx = _
    lane = lax.iota(jnp.int32, L)
    mm_v[...] = jnp.where(lane == 1, jnp.max(mx), jnp.min(mn))
    cw2 = pltpu.async_copy(s_v.at[pl.ds(SEG1, SEG2)],
                           s_hbm.at[0, pl.ds(base + SEG1, SEG2)], sem_w)
    pltpu.sync_copy(mm_v, mm_hbm.at[wid])
    cw1.wait()
    cw2.wait()


def kernel(h, edge_index, W, b):
    w2 = W.reshape(2, D)

    pq = pl.pallas_call(
        _pq_body,
        out_shape=jax.ShapeDtypeStruct((2, N), jnp.float32),
        in_specs=[
            pl.BlockSpec(),
            pl.BlockSpec(),
            pl.BlockSpec(memory_space=pltpu.SMEM),
        ],
    )(h, w2, b)

    sc = pl.kernel(
        _sc_body,
        out_type=(jax.ShapeDtypeStruct((1, E), jnp.float32),
                  jax.ShapeDtypeStruct((NW, L), jnp.float32)),
        mesh=plsc.VectorSubcoreMesh(core_axis_name="c", subcore_axis_name="s",
                                    num_cores=NC, num_subcores=NS),
        compiler_params=pltpu.CompilerParams(needs_layout_passes=False),
        scratch_types=[
            pltpu.VMEM((N,), jnp.float32),
            pltpu.VMEM((N,), jnp.float32),
            pltpu.VMEM((2, EW), jnp.int32),
            pltpu.VMEM((EW,), jnp.float32),
            pltpu.VMEM((L,), jnp.float32),
            pltpu.SemaphoreType.DMA,
            pltpu.SemaphoreType.DMA,
            pltpu.SemaphoreType.DMA,
        ],
    )
    s, mm = sc(pq, edge_index)

    o = pl.pallas_call(
        _norm_body,
        out_shape=jax.ShapeDtypeStruct((1, E), jnp.float32),
    )(s, mm)
    return o.reshape(E, 1)

# --- scband reference (transcript-rebuilt; emitter-appended) ---
"""Pipeline reference for scband-mlpgate-62491774157283 (READ-ONLY COPY).

The authoritative reference and input builder live on the scoring server;
editing this copy changes nothing except your own understanding.
"""

import jax, jax.numpy as jnp
import numpy as np

N = 10000
E = 320000
D = 128

def setup_inputs(seed: int = 0) -> dict:
    key = jax.random.key(seed)
    k1, k2, k3, k4 = jax.random.split(key, 4)
    h = jax.random.normal(k1, (N, D), dtype=jnp.float32)
    edge_index = jax.random.randint(k2, (2, E), 0, N, dtype=jnp.int32)
    # nn.Linear(in_features*2, 1): weight [1, 2D], bias [1]
    bound = 1.0 / np.sqrt(2 * D)
    W = jax.random.uniform(k3, (1, 2 * D), dtype=jnp.float32, minval=-bound, maxval=bound)
    b = jnp.zeros((1,), dtype=jnp.float32)
    return {"h": h, "edge_index": edge_index, "W": W, "b": b}

def reference(h, edge_index, W, b):
    src = edge_index[0]
    dst = edge_index[1]
    h_u = jnp.take(h, src, axis=0)  # [E, D] gather (SparseCore-friendly)
    h_v = jnp.take(h, dst, axis=0)  # [E, D] gather
    score = jnp.concatenate([h_u, h_v], axis=1) @ W.T + b  # [E, 1]
    # original uses score.detach().numpy() for min/max -> stop_gradient
    s_det = jax.lax.stop_gradient(score)
    max_num = jnp.max(s_det)
    min_num = jnp.min(s_det)
    score = (score - min_num) / (max_num - min_num)
    return score

if __name__ == "__main__":
    import jax
    _d = setup_inputs()
    print(jax.jit(kernel)(*tuple(_d.values())))

</pallas_src>

<mosaic_0001>
#map = affine_map<(d0, d1) -> (0, 0)>
module attributes {stable_mosaic.version = 14 : i64} {
  func.func @_sc_body(%arg0: i32, %arg1: i32, %arg2: memref<2x10000xf32, #tpu.memory_space<hbm>>, %arg3: memref<2x320000xi32, #tpu.memory_space<hbm>>, %arg4: memref<1x320000xf32, #tpu.memory_space<hbm>>, %arg5: memref<32x16xf32, #tpu.memory_space<hbm>>, %arg6: memref<10000xf32, #tpu.memory_space<vmem>>, %arg7: memref<10000xf32, #tpu.memory_space<vmem>>, %arg8: memref<2x10112xi32, #tpu.memory_space<vmem>>, %arg9: memref<10112xf32, #tpu.memory_space<vmem>>, %arg10: memref<16xf32, #tpu.memory_space<vmem>>, %arg11: memref<!tpu.dma_semaphore, #tpu.memory_space<semaphore_mem>>, %arg12: memref<!tpu.dma_semaphore, #tpu.memory_space<semaphore_mem>>, %arg13: memref<!tpu.dma_semaphore, #tpu.memory_space<semaphore_mem>>) attributes {dimension_semantics = [#tpu.dimension_semantics<core_parallel>, #tpu.dimension_semantics<subcore_parallel>], iteration_bounds = array<i64: 2, 16>, scalar_prefetch = 0 : i64, scratch_operands = 8 : i64, tpu.core_type = #tpu.core_type<sc_vector_subcore>, window_params = [{transform_indices = #map}, {transform_indices = #map}, {transform_indices = #map}, {transform_indices = #map}]} {
    %mul3A = arith.constant 2 : i32
    %mul3A_0 = arith.muli %arg1, %mul3A : i32
    %add3A = arith.addi %mul3A_0, %arg0 : i32
    %mul3A_1 = arith.constant 2421 : i32
    %mul3A_2 = arith.muli %add3A, %mul3A_1 : i32
    %jit3A = arith.constant 31 : i32
    %div3A = arith.divsi %mul3A_2, %jit3A : i32
    %sign3A = arith.constant 0 : i32
    %sign3A_3 = arith.cmpi sgt, %mul3A_2, %sign3A : i32
    %sign3A_4 = arith.extui %sign3A_3 : i1 to i32
    %sign3A_5 = arith.constant 0 : i32
    %sign3A_6 = arith.cmpi slt, %mul3A_2, %sign3A_5 : i32
    %sign3A_7 = arith.extui %sign3A_6 : i1 to i32
    %sign3A_8 = arith.subi %sign3A_4, %sign3A_7 : i32
    %sign3A_9 = arith.constant 0 : i32
    %sign3A_10 = arith.cmpi sgt, %jit3A, %sign3A_9 : i32
    %sign3A_11 = arith.extui %sign3A_10 : i1 to i32
    %sign3A_12 = arith.constant 0 : i32
    %sign3A_13 = arith.cmpi slt, %jit3A, %sign3A_12 : i32
    %sign3A_14 = arith.extui %sign3A_13 : i1 to i32
    %sign3A_15 = arith.subi %sign3A_11, %sign3A_14 : i32
    %ne3A = arith.cmpi ne, %sign3A_8, %sign3A_15 : i32
    %rem3A = arith.remsi %mul3A_2, %jit3A : i32
    %ne3A_16 = arith.constant 0 : i32
    %ne3A_17 = arith.cmpi ne, %rem3A, %ne3A_16 : i32
    %and3A = arith.andi %ne3A, %ne3A_17 : i1
    %sub3A = arith.constant 1 : i32
    %sub3A_18 = arith.subi %div3A, %sub3A : i32
    %select_n3A = arith.select %and3A, %sub3A_18, %div3A : i32
    %mul3A_19 = arith.constant 128 : i32
    %mul3A_20 = arith.muli %select_n3A, %mul3A_19 : i32
    %dma_start3A = arith.constant 0 : i32
    %dma_start3A_21 = arith.constant 0 : i32
    %dma_start3A_22 = tpu.memref_slice %arg2[%dma_start3A, %dma_start3A_21] : memref<2x10000xf32, #tpu.memory_space<hbm>> -> memref<1x10000xf32, #tpu.memory_space<hbm>>
    %dma_start3A_23 = tpu.memref_squeeze %dma_start3A_22 : memref<1x10000xf32, #tpu.memory_space<hbm>> -> memref<10000xf32, #tpu.memory_space<hbm>>
    %dma_start3A_24 = arith.constant 0 : i32
    %dma_start3A_25 = tpu.memref_slice %arg2[%dma_start3A, %dma_start3A_24] : memref<2x10000xf32, #tpu.memory_space<hbm>> -> memref<1x10000xf32, #tpu.memory_space<hbm>>
    %dma_start3A_26 = tpu.memref_squeeze %dma_start3A_25 : memref<1x10000xf32, #tpu.memory_space<hbm>> -> memref<10000xf32, #tpu.memory_space<hbm>>
    tpu.enqueue_dma source(%dma_start3A_26 : memref<10000xf32, #tpu.memory_space<hbm>>) target(%arg6 : memref<10000xf32, #tpu.memory_space<vmem>>) target_semaphore(%arg11 : memref<!tpu.dma_semaphore, #tpu.memory_space<semaphore_mem>>)
    %dma_start3A_27 = arith.constant 1 : i32
    %dma_start3A_28 = arith.constant 0 : i32
    %dma_start3A_29 = tpu.memref_slice %arg2[%dma_start3A_27, %dma_start3A_28] : memref<2x10000xf32, #tpu.memory_space<hbm>> -> memref<1x10000xf32, #tpu.memory_space<hbm>>
    %dma_start3A_30 = tpu.memref_squeeze %dma_start3A_29 : memref<1x10000xf32, #tpu.memory_space<hbm>> -> memref<10000xf32, #tpu.memory_space<hbm>>
    %dma_start3A_31 = arith.constant 0 : i32
    %dma_start3A_32 = tpu.memref_slice %arg2[%dma_start3A_27, %dma_start3A_31] : memref<2x10000xf32, #tpu.memory_space<hbm>> -> memref<1x10000xf32, #tpu.memory_space<hbm>>
    %dma_start3A_33 = tpu.memref_squeeze %dma_start3A_32 : memref<1x10000xf32, #tpu.memory_space<hbm>> -> memref<10000xf32, #tpu.memory_space<hbm>>
    tpu.enqueue_dma source(%dma_start3A_33 : memref<10000xf32, #tpu.memory_space<hbm>>) target(%arg7 : memref<10000xf32, #tpu.memory_space<vmem>>) target_semaphore(%arg11 : memref<!tpu.dma_semaphore, #tpu.memory_space<semaphore_mem>>)
    %dma_start3A_34 = arith.constant 0 : i32
    %dma_start3A_35 = arith.constant 0 : i32
    %dma_start3A_36 = tpu.memref_slice %arg8[%dma_start3A_34, %dma_start3A_35] : memref<2x10112xi32, #tpu.memory_space<vmem>> -> memref<2x5120xi32, #tpu.memory_space<vmem>>
    %dma_start3A_37 = arith.constant 0 : i32
    %dma_start3A_38 = tpu.memref_slice %arg3[%dma_start3A_37, %mul3A_20] : memref<2x320000xi32, #tpu.memory_space<hbm>> -> memref<2x5120xi32, #tpu.memory_space<hbm>>
    %dma_start3A_39 = arith.constant 0 : i32
    %dma_start3A_40 = arith.constant 0 : i32
    %dma_start3A_41 = tpu.memref_slice %arg8[%dma_start3A_39, %dma_start3A_40] : memref<2x10112xi32, #tpu.memory_space<vmem>> -> memref<2x5120xi32, #tpu.memory_space<vmem>>
    %dma_start3A_42 = arith.constant 0 : i32
    %dma_start3A_43 = tpu.memref_slice %arg3[%dma_start3A_42, %mul3A_20] : memref<2x320000xi32, #tpu.memory_space<hbm>> -> memref<2x5120xi32, #tpu.memory_space<hbm>>
    tpu.enqueue_dma source(%dma_start3A_43 : memref<2x5120xi32, #tpu.memory_space<hbm>>) target(%dma_start3A_41 : memref<2x5120xi32, #tpu.memory_space<vmem>>) target_semaphore(%arg11 : memref<!tpu.dma_semaphore, #tpu.memory_space<semaphore_mem>>)
    %add3A_44 = arith.constant 5120 : i32
    %add3A_45 = arith.addi %mul3A_20, %add3A_44 : i32
    %dma_start3A_46 = arith.constant 0 : i32
    %dma_start3A_47 = arith.constant 5120 : i32
    %dma_start3A_48 = tpu.memref_slice %arg8[%dma_start3A_46, %dma_start3A_47] : memref<2x10112xi32, #tpu.memory_space<vmem>> -> memref<2x4992xi32, #tpu.memory_space<vmem>>
    %dma_start3A_49 = arith.constant 0 : i32
    %dma_start3A_50 = tpu.memref_slice %arg3[%dma_start3A_49, %add3A_45] : memref<2x320000xi32, #tpu.memory_space<hbm>> -> memref<2x4992xi32, #tpu.memory_space<hbm>>
    %dma_start3A_51 = arith.constant 0 : i32
    %dma_start3A_52 = arith.constant 5120 : i32
    %dma_start3A_53 = tpu.memref_slice %arg8[%dma_start3A_51, %dma_start3A_52] : memref<2x10112xi32, #tpu.memory_space<vmem>> -> memref<2x4992xi32, #tpu.memory_space<vmem>>
    %dma_start3A_54 = arith.constant 0 : i32
    %dma_start3A_55 = tpu.memref_slice %arg3[%dma_start3A_54, %add3A_45] : memref<2x320000xi32, #tpu.memory_space<hbm>> -> memref<2x4992xi32, #tpu.memory_space<hbm>>
    tpu.enqueue_dma source(%dma_start3A_55 : memref<2x4992xi32, #tpu.memory_space<hbm>>) target(%dma_start3A_53 : memref<2x4992xi32, #tpu.memory_space<vmem>>) target_semaphore(%arg12 : memref<!tpu.dma_semaphore, #tpu.memory_space<semaphore_mem>>)
    %dma_wait3A = arith.constant 0 : i32
    %dma_wait3A_56 = arith.constant 0 : i32
    %dma_wait3A_57 = tpu.memref_slice %arg8[%dma_wait3A, %dma_wait3A_56] : memref<2x10112xi32, #tpu.memory_space<vmem>> -> memref<2x5120xi32, #tpu.memory_space<vmem>>
    %dma_wait3A_58 = arith.constant 0 : i32
    %dma_wait3A_59 = tpu.memref_slice %arg3[%dma_wait3A_58, %mul3A_20] : memref<2x320000xi32, #tpu.memory_space<hbm>> -> memref<2x5120xi32, #tpu.memory_space<hbm>>
    %dma_wait3A_60 = arith.constant 0 : i32
    %dma_wait3A_61 = arith.constant 0 : i32
    %dma_wait3A_62 = tpu.memref_slice %arg8[%dma_wait3A_60, %dma_wait3A_61] : memref<2x10112xi32, #tpu.memory_space<vmem>> -> memref<2x5120xi32, #tpu.memory_space<vmem>>
    %dma_wait3A_63 = arith.constant 0 : i32
    %dma_wait3A_64 = tpu.memref_slice %arg3[%dma_wait3A_63, %mul3A_20] : memref<2x320000xi32, #tpu.memory_space<hbm>> -> memref<2x5120xi32, #tpu.memory_space<hbm>>
    tpu.wait_dma2 semaphore(%arg11 : memref<!tpu.dma_semaphore, #tpu.memory_space<semaphore_mem>>) src(%dma_wait3A_64 : memref<2x5120xi32, #tpu.memory_space<hbm>>) dst(%dma_wait3A_62 : memref<2x5120xi32, #tpu.memory_space<vmem>>)
    %dma_wait3A_65 = arith.constant 0 : i32
    %dma_wait3A_66 = arith.constant 0 : i32
    %dma_wait3A_67 = tpu.memref_slice %arg2[%dma_wait3A_65, %dma_wait3A_66] : memref<2x10000xf32, #tpu.memory_space<hbm>> -> memref<1x10000xf32, #tpu.memory_space<hbm>>
    %dma_wait3A_68 = tpu.memref_squeeze %dma_wait3A_67 : memref<1x10000xf32, #tpu.memory_space<hbm>> -> memref<10000xf32, #tpu.memory_space<hbm>>
    %dma_wait3A_69 = arith.constant 0 : i32
    %dma_wait3A_70 = tpu.memref_slice %arg2[%dma_wait3A_65, %dma_wait3A_69] : memref<2x10000xf32, #tpu.memory_space<hbm>> -> memref<1x10000xf32, #tpu.memory_space<hbm>>
    %dma_wait3A_71 = tpu.memref_squeeze %dma_wait3A_70 : memref<1x10000xf32, #tpu.memory_space<hbm>> -> memref<10000xf32, #tpu.memory_space<hbm>>
    tpu.wait_dma2 semaphore(%arg11 : memref<!tpu.dma_semaphore, #tpu.memory_space<semaphore_mem>>) src(%dma_wait3A_71 : memref<10000xf32, #tpu.memory_space<hbm>>) dst(%arg6 : memref<10000xf32, #tpu.memory_space<vmem>>)
    %dma_wait3A_72 = arith.constant 1 : i32
    %dma_wait3A_73 = arith.constant 0 : i32
    %dma_wait3A_74 = tpu.memref_slice %arg2[%dma_wait3A_72, %dma_wait3A_73] : memref<2x10000xf32, #tpu.memory_space<hbm>> -> memref<1x10000xf32, #tpu.memory_space<hbm>>
    %dma_wait3A_75 = tpu.memref_squeeze %dma_wait3A_74 : memref<1x10000xf32, #tpu.memory_space<hbm>> -> memref<10000xf32, #tpu.memory_space<hbm>>
    %dma_wait3A_76 = arith.constant 0 : i32
    %dma_wait3A_77 = tpu.memref_slice %arg2[%dma_wait3A_72, %dma_wait3A_76] : memref<2x10000xf32, #tpu.memory_space<hbm>> -> memref<1x10000xf32, #tpu.memory_space<hbm>>
    %dma_wait3A_78 = tpu.memref_squeeze %dma_wait3A_77 : memref<1x10000xf32, #tpu.memory_space<hbm>> -> memref<10000xf32, #tpu.memory_space<hbm>>
    tpu.wait_dma2 semaphore(%arg11 : memref<!tpu.dma_semaphore, #tpu.memory_space<semaphore_mem>>) src(%dma_wait3A_78 : memref<10000xf32, #tpu.memory_space<hbm>>) dst(%arg7 : memref<10000xf32, #tpu.memory_space<vmem>>)
    %broadcast_in_dim3A = arith.constant 0x7F800000 : f32
    %broadcast_in_dim3A_79 = vector.broadcast %broadcast_in_dim3A : f32 to vector<16xf32>
    %broadcast_in_dim3A_80 = arith.constant 0xFF800000 : f32
    %broadcast_in_dim3A_81 = vector.broadcast %broadcast_in_dim3A_80 : f32 to vector<16xf32>
    %parallel_loop3A = arith.constant 0 : i32
    %parallel_loop3A_82 = arith.constant 320 : i32
    %parallel_loop3A_83 = arith.constant 1 : i32
    %parallel_loop3A_84:2 = scf.for %parallel_loop3A_149 = %parallel_loop3A to %parallel_loop3A_82 step %parallel_loop3A_83 iter_args(%parallel_loop3A_150 = %broadcast_in_dim3A_79, %parallel_loop3A_151 = %broadcast_in_dim3A_81) -> (vector<16xf32>, vector<16xf32>)  : i32 {
      %parallel_loop3A_152 = arith.constant 16 : i32
      %parallel_loop3A_153 = arith.muli %parallel_loop3A_149, %parallel_loop3A_152 : i32
      %parallel_loop3A_154 = tpu.assume_multiple %parallel_loop3A_153, 16 : i32
      %parallel_loop3A_155 = arith.constant 0 : i32
      %parallel_loop3A_156 = arith.index_cast %parallel_loop3A_155 : i32 to index
      %parallel_loop3A_157 = arith.index_cast %parallel_loop3A_154 : i32 to index
      %parallel_loop3A_158 = tpu.vector_load %arg8[%parallel_loop3A_156, %parallel_loop3A_157] {strides = array<i32>} : memref<2x10112xi32, #tpu.memory_space<vmem>>, vector<16xi32>,
      %parallel_loop3A_159 = arith.constant 1 : i32
      %parallel_loop3A_160 = arith.index_cast %parallel_loop3A_159 : i32 to index
      %parallel_loop3A_161 = arith.index_cast %parallel_loop3A_154 : i32 to index
      %parallel_loop3A_162 = tpu.vector_load %arg8[%parallel_loop3A_160, %parallel_loop3A_161] {strides = array<i32>} : memref<2x10112xi32, #tpu.memory_space<vmem>>, vector<16xi32>,
      %parallel_loop3A_163 = tpu.vector_load_idx %arg6[%parallel_loop3A_158] : memref<10000xf32, #tpu.memory_space<vmem>>[vector<16xi32>], vector<16xf32>,
      %parallel_loop3A_164 = tpu.vector_load_idx %arg7[%parallel_loop3A_162] : memref<10000xf32, #tpu.memory_space<vmem>>[vector<16xi32>], vector<16xf32>,
      %parallel_loop3A_165 = arith.addf %parallel_loop3A_163, %parallel_loop3A_164 : vector<16xf32>
      %parallel_loop3A_166 = arith.index_cast %parallel_loop3A_154 : i32 to index
      %parallel_loop3A_167 = tpu.vector_load %arg9[%parallel_loop3A_166] {strides = array<i32>} : memref<10112xf32, #tpu.memory_space<vmem>>, vector<16xf32>,
      tpu.vector_store %arg9[%parallel_loop3A_166], %parallel_loop3A_165 {strides = array<i32>} : memref<10112xf32, #tpu.memory_space<vmem>>, vector<16xf32>,
      %parallel_loop3A_168 = arith.minimumf %parallel_loop3A_150, %parallel_loop3A_165 : vector<16xf32>
      %parallel_loop3A_169 = arith.maximumf %parallel_loop3A_151, %parallel_loop3A_165 : vector<16xf32>
      scf.yield %parallel_loop3A_168, %parallel_loop3A_169 : vector<16xf32>, vector<16xf32>
    } {sc.loop_unroll_factor = 4 : i64, sc.parallel_access}
    %dma_start3A_85 = arith.constant 0 : i32
    %dma_start3A_86 = arith.constant 0 : i32
    %dma_start3A_87 = tpu.memref_slice %arg9[%dma_start3A_86] : memref<10112xf32, #tpu.memory_space<vmem>> -> memref<5120xf32, #tpu.memory_space<vmem>>
    %dma_start3A_88 = tpu.memref_slice %arg4[%dma_start3A_85, %mul3A_20] : memref<1x320000xf32, #tpu.memory_space<hbm>> -> memref<1x5120xf32, #tpu.memory_space<hbm>>
    %dma_start3A_89 = tpu.memref_squeeze %dma_start3A_88 : memref<1x5120xf32, #tpu.memory_space<hbm>> -> memref<5120xf32, #tpu.memory_space<hbm>>
    %dma_start3A_90 = tpu.memref_slice %arg4[%dma_start3A_85, %mul3A_20] : memref<1x320000xf32, #tpu.memory_space<hbm>> -> memref<1x5120xf32, #tpu.memory_space<hbm>>
    %dma_start3A_91 = tpu.memref_squeeze %dma_start3A_90 : memref<1x5120xf32, #tpu.memory_space<hbm>> -> memref<5120xf32, #tpu.memory_space<hbm>>
    %dma_start3A_92 = arith.constant 0 : i32
    %dma_start3A_93 = tpu.memref_slice %arg9[%dma_start3A_92] : memref<10112xf32, #tpu.memory_space<vmem>> -> memref<5120xf32, #tpu.memory_space<vmem>>
    tpu.enqueue_dma source(%dma_start3A_93 : memref<5120xf32, #tpu.memory_space<vmem>>) target(%dma_start3A_91 : memref<5120xf32, #tpu.memory_space<hbm>>) target_semaphore(%arg13 : memref<!tpu.dma_semaphore, #tpu.memory_space<semaphore_mem>>)
    %dma_wait3A_94 = arith.constant 0 : i32
    %dma_wait3A_95 = arith.constant 5120 : i32
    %dma_wait3A_96 = tpu.memref_slice %arg8[%dma_wait3A_94, %dma_wait3A_95] : memref<2x10112xi32, #tpu.memory_space<vmem>> -> memref<2x4992xi32, #tpu.memory_space<vmem>>
    %dma_wait3A_97 = arith.constant 0 : i32
    %dma_wait3A_98 = tpu.memref_slice %arg3[%dma_wait3A_97, %add3A_45] : memref<2x320000xi32, #tpu.memory_space<hbm>> -> memref<2x4992xi32, #tpu.memory_space<hbm>>
    %dma_wait3A_99 = arith.constant 0 : i32
    %dma_wait3A_100 = arith.constant 5120 : i32
    %dma_wait3A_101 = tpu.memref_slice %arg8[%dma_wait3A_99, %dma_wait3A_100] : memref<2x10112xi32, #tpu.memory_space<vmem>> -> memref<2x4992xi32, #tpu.memory_space<vmem>>
    %dma_wait3A_102 = arith.constant 0 : i32
    %dma_wait3A_103 = tpu.memref_slice %arg3[%dma_wait3A_102, %add3A_45] : memref<2x320000xi32, #tpu.memory_space<hbm>> -> memref<2x4992xi32, #tpu.memory_space<hbm>>
    tpu.wait_dma2 semaphore(%arg12 : memref<!tpu.dma_semaphore, #tpu.memory_space<semaphore_mem>>) src(%dma_wait3A_103 : memref<2x4992xi32, #tpu.memory_space<hbm>>) dst(%dma_wait3A_101 : memref<2x4992xi32, #tpu.memory_space<vmem>>)
    %parallel_loop3A_104 = arith.constant 0 : i32
    %parallel_loop3A_105 = arith.constant 312 : i32
    %parallel_loop3A_106 = arith.constant 1 : i32
    %parallel_loop3A_107:2 = scf.for %parallel_loop3A_149 = %parallel_loop3A_104 to %parallel_loop3A_105 step %parallel_loop3A_106 iter_args(%parallel_loop3A_150 = %parallel_loop3A_84#0, %parallel_loop3A_151 = %parallel_loop3A_84#1) -> (vector<16xf32>, vector<16xf32>)  : i32 {
      %parallel_loop3A_152 = arith.constant 16 : i32
      %parallel_loop3A_153 = arith.muli %parallel_loop3A_149, %parallel_loop3A_152 : i32
      %parallel_loop3A_154 = arith.constant 5120 : i32
      %parallel_loop3A_155 = arith.addi %parallel_loop3A_154, %parallel_loop3A_153 : i32
      %parallel_loop3A_156 = tpu.assume_multiple %parallel_loop3A_155, 16 : i32
      %parallel_loop3A_157 = arith.constant 0 : i32
      %parallel_loop3A_158 = arith.index_cast %parallel_loop3A_157 : i32 to index
      %parallel_loop3A_159 = arith.index_cast %parallel_loop3A_156 : i32 to index
      %parallel_loop3A_160 = tpu.vector_load %arg8[%parallel_loop3A_158, %parallel_loop3A_159] {strides = array<i32>} : memref<2x10112xi32, #tpu.memory_space<vmem>>, vector<16xi32>,
      %parallel_loop3A_161 = arith.constant 1 : i32
      %parallel_loop3A_162 = arith.index_cast %parallel_loop3A_161 : i32 to index
      %parallel_loop3A_163 = arith.index_cast %parallel_loop3A_156 : i32 to index
      %parallel_loop3A_164 = tpu.vector_load %arg8[%parallel_loop3A_162, %parallel_loop3A_163] {strides = array<i32>} : memref<2x10112xi32, #tpu.memory_space<vmem>>, vector<16xi32>,
      %parallel_loop3A_165 = tpu.vector_load_idx %arg6[%parallel_loop3A_160] : memref<10000xf32, #tpu.memory_space<vmem>>[vector<16xi32>], vector<16xf32>,
      %parallel_loop3A_166 = tpu.vector_load_idx %arg7[%parallel_loop3A_164] : memref<10000xf32, #tpu.memory_space<vmem>>[vector<16xi32>], vector<16xf32>,
      %parallel_loop3A_167 = arith.addf %parallel_loop3A_165, %parallel_loop3A_166 : vector<16xf32>
      %parallel_loop3A_168 = arith.index_cast %parallel_loop3A_156 : i32 to index
      %parallel_loop3A_169 = tpu.vector_load %arg9[%parallel_loop3A_168] {strides = array<i32>} : memref<10112xf32, #tpu.memory_space<vmem>>, vector<16xf32>,
      tpu.vector_store %arg9[%parallel_loop3A_168], %parallel_loop3A_167 {strides = array<i32>} : memref<10112xf32, #tpu.memory_space<vmem>>, vector<16xf32>,
      %parallel_loop3A_170 = arith.minimumf %parallel_loop3A_150, %parallel_loop3A_167 : vector<16xf32>
      %parallel_loop3A_171 = arith.maximumf %parallel_loop3A_151, %parallel_loop3A_167 : vector<16xf32>
      scf.yield %parallel_loop3A_170, %parallel_loop3A_171 : vector<16xf32>, vector<16xf32>
    } {sc.loop_unroll_factor = 4 : i64, sc.parallel_access}
    %iota3A = tpu.iota {dimensions = array<i32: 0>} : vector<16xi32>
    %eq3A = arith.constant 1 : i32
    %eq3A_108 = vector.broadcast %eq3A : i32 to vector<16xi32>
    %eq3A_109 = arith.cmpi eq, %iota3A, %eq3A_108 : vector<16xi32>
    %reduce_max3A = arith.constant true
    %reduce_max3A_110 = vector.broadcast %reduce_max3A : i1 to vector<16xi1>
    %reduce_max3A_111 = tpu.scan <max>, %parallel_loop3A_107#1 masked %reduce_max3A_110 : vector<16xf32>, vector<16xi1> -> vector<16xf32>
    %reduce_max3A_112 = vector.extract %reduce_max3A_111[15] : f32 from vector<16xf32>
    %reduce_min3A = arith.constant true
    %reduce_min3A_113 = vector.broadcast %reduce_min3A : i1 to vector<16xi1>
    %reduce_min3A_114 = tpu.scan <min>, %parallel_loop3A_107#0 masked %reduce_min3A_113 : vector<16xf32>, vector<16xi1> -> vector<16xf32>
    %reduce_min3A_115 = vector.extract %reduce_min3A_114[15] : f32 from vector<16xf32>
    %broadcast_in_dim3A_116 = vector.broadcast %reduce_max3A_112 : f32 to vector<16xf32>
    %broadcast_in_dim3A_117 = vector.broadcast %reduce_min3A_115 : f32 to vector<16xf32>
    %select_n3A_118 = arith.select %eq3A_109, %broadcast_in_dim3A_116, %broadcast_in_dim3A_117 : vector<16xi1>, vector<16xf32>
    %swap3A = arith.constant 0 : index
    %swap3A_119 = tpu.vector_load %arg10[%swap3A] {strides = array<i32>} : memref<16xf32, #tpu.memory_space<vmem>>, vector<16xf32>,
    tpu.vector_store %arg10[%swap3A], %select_n3A_118 {strides = array<i32>} : memref<16xf32, #tpu.memory_space<vmem>>, vector<16xf32>,
    %add3A_120 = arith.constant 5120 : i32
    %add3A_121 = arith.addi %mul3A_20, %add3A_120 : i32
    %dma_start3A_122 = arith.constant 0 : i32
    %dma_start3A_123 = arith.constant 5120 : i32
    %dma_start3A_124 = tpu.memref_slice %arg9[%dma_start3A_123] : memref<10112xf32, #tpu.memory_space<vmem>> -> memref<4992xf32, #tpu.memory_space<vmem>>
    %dma_start3A_125 = tpu.memref_slice %arg4[%dma_start3A_122, %add3A_121] : memref<1x320000xf32, #tpu.memory_space<hbm>> -> memref<1x4992xf32, #tpu.memory_space<hbm>>
    %dma_start3A_126 = tpu.memref_squeeze %dma_start3A_125 : memref<1x4992xf32, #tpu.memory_space<hbm>> -> memref<4992xf32, #tpu.memory_space<hbm>>
    %dma_start3A_127 = tpu.memref_slice %arg4[%dma_start3A_122, %add3A_121] : memref<1x320000xf32, #tpu.memory_space<hbm>> -> memref<1x4992xf32, #tpu.memory_space<hbm>>
    %dma_start3A_128 = tpu.memref_squeeze %dma_start3A_127 : memref<1x4992xf32, #tpu.memory_space<hbm>> -> memref<4992xf32, #tpu.memory_space<hbm>>
    %dma_start3A_129 = arith.constant 5120 : i32
    %dma_start3A_130 = tpu.memref_slice %arg9[%dma_start3A_129] : memref<10112xf32, #tpu.memory_space<vmem>> -> memref<4992xf32, #tpu.memory_space<vmem>>
    tpu.enqueue_dma source(%dma_start3A_130 : memref<4992xf32, #tpu.memory_space<vmem>>) target(%dma_start3A_128 : memref<4992xf32, #tpu.memory_space<hbm>>) target_semaphore(%arg13 : memref<!tpu.dma_semaphore, #tpu.memory_space<semaphore_mem>>)
    "tpu.region"() ({
      %run_scoped3A = tpu.sem_alloc : memref<!tpu.dma_semaphore, #tpu.memory_space<semaphore_mem>>
      %dma_start3A_149 = arith.constant 0 : i32
      %dma_start3A_150 = tpu.memref_slice %arg5[%add3A, %dma_start3A_149] : memref<32x16xf32, #tpu.memory_space<hbm>> -> memref<1x16xf32, #tpu.memory_space<hbm>>
      %dma_start3A_151 = tpu.memref_squeeze %dma_start3A_150 : memref<1x16xf32, #tpu.memory_space<hbm>> -> memref<16xf32, #tpu.memory_space<hbm>>
      %dma_start3A_152 = arith.constant 0 : i32
      %dma_start3A_153 = tpu.memref_slice %arg5[%add3A, %dma_start3A_152] : memref<32x16xf32, #tpu.memory_space<hbm>> -> memref<1x16xf32, #tpu.memory_space<hbm>>
      %dma_start3A_154 = tpu.memref_squeeze %dma_start3A_153 : memref<1x16xf32, #tpu.memory_space<hbm>> -> memref<16xf32, #tpu.memory_space<hbm>>
      tpu.enqueue_dma source(%arg10 : memref<16xf32, #tpu.memory_space<vmem>>) target(%dma_start3A_154 : memref<16xf32, #tpu.memory_space<hbm>>) target_semaphore(%run_scoped3A : memref<!tpu.dma_semaphore, #tpu.memory_space<semaphore_mem>>)
      %dma_wait3A_155 = arith.constant 0 : i32
      %dma_wait3A_156 = tpu.memref_slice %arg5[%add3A, %dma_wait3A_155] : memref<32x16xf32, #tpu.memory_space<hbm>> -> memref<1x16xf32, #tpu.memory_space<hbm>>
      %dma_wait3A_157 = tpu.memref_squeeze %dma_wait3A_156 : memref<1x16xf32, #tpu.memory_space<hbm>> -> memref<16xf32, #tpu.memory_space<hbm>>
      %dma_wait3A_158 = arith.constant 0 : i32
      %dma_wait3A_159 = tpu.memref_slice %arg5[%add3A, %dma_wait3A_158] : memref<32x16xf32, #tpu.memory_space<hbm>> -> memref<1x16xf32, #tpu.memory_space<hbm>>
      %dma_wait3A_160 = tpu.memref_squeeze %dma_wait3A_159 : memref<1x16xf32, #tpu.memory_space<hbm>> -> memref<16xf32, #tpu.memory_space<hbm>>
      tpu.wait_dma2 semaphore(%run_scoped3A : memref<!tpu.dma_semaphore, #tpu.memory_space<semaphore_mem>>) src(%arg10 : memref<16xf32, #tpu.memory_space<vmem>>) dst(%dma_wait3A_160 : memref<16xf32, #tpu.memory_space<hbm>>)
      tpu.yield
    }) : () -> ()
    %dma_wait3A_131 = arith.constant 0 : i32
    %dma_wait3A_132 = arith.constant 0 : i32
    %dma_wait3A_133 = tpu.memref_slice %arg9[%dma_wait3A_132] : memref<10112xf32, #tpu.memory_space<vmem>> -> memref<5120xf32, #tpu.memory_space<vmem>>
    %dma_wait3A_134 = tpu.memref_slice %arg4[%dma_wait3A_131, %mul3A_20] : memref<1x320000xf32, #tpu.memory_space<hbm>> -> memref<1x5120xf32, #tpu.memory_space<hbm>>
    %dma_wait3A_135 = tpu.memref_squeeze %dma_wait3A_134 : memref<1x5120xf32, #tpu.memory_space<hbm>> -> memref<5120xf32, #tpu.memory_space<hbm>>
    %dma_wait3A_136 = tpu.memref_slice %arg4[%dma_wait3A_131, %mul3A_20] : memref<1x320000xf32, #tpu.memory_space<hbm>> -> memref<1x5120xf32, #tpu.memory_space<hbm>>
    %dma_wait3A_137 = tpu.memref_squeeze %dma_wait3A_136 : memref<1x5120xf32, #tpu.memory_space<hbm>> -> memref<5120xf32, #tpu.memory_space<hbm>>
    %dma_wait3A_138 = arith.constant 0 : i32
    %dma_wait3A_139 = tpu.memref_slice %arg9[%dma_wait3A_138] : memref<10112xf32, #tpu.memory_space<vmem>> -> memref<5120xf32, #tpu.memory_space<vmem>>
    tpu.wait_dma2 semaphore(%arg13 : memref<!tpu.dma_semaphore, #tpu.memory_space<semaphore_mem>>) src(%dma_wait3A_139 : memref<5120xf32, #tpu.memory_space<vmem>>) dst(%dma_wait3A_137 : memref<5120xf32, #tpu.memory_space<hbm>>)
    %dma_wait3A_140 = arith.constant 0 : i32
    %dma_wait3A_141 = arith.constant 5120 : i32
    %dma_wait3A_142 = tpu.memref_slice %arg9[%dma_wait3A_141] : memref<10112xf32, #tpu.memory_space<vmem>> -> memref<4992xf32, #tpu.memory_space<vmem>>
    %dma_wait3A_143 = tpu.memref_slice %arg4[%dma_wait3A_140, %add3A_121] : memref<1x320000xf32, #tpu.memory_space<hbm>> -> memref<1x4992xf32, #tpu.memory_space<hbm>>
    %dma_wait3A_144 = tpu.memref_squeeze %dma_wait3A_143 : memref<1x4992xf32, #tpu.memory_space<hbm>> -> memref<4992xf32, #tpu.memory_space<hbm>>
    %dma_wait3A_145 = tpu.memref_slice %arg4[%dma_wait3A_140, %add3A_121] : memref<1x320000xf32, #tpu.memory_space<hbm>> -> memref<1x4992xf32, #tpu.memory_space<hbm>>
    %dma_wait3A_146 = tpu.memref_squeeze %dma_wait3A_145 : memref<1x4992xf32, #tpu.memory_space<hbm>> -> memref<4992xf32, #tpu.memory_space<hbm>>
    %dma_wait3A_147 = arith.constant 5120 : i32
    %dma_wait3A_148 = tpu.memref_slice %arg9[%dma_wait3A_147] : memref<10112xf32, #tpu.memory_space<vmem>> -> memref<4992xf32, #tpu.memory_space<vmem>>
    tpu.wait_dma2 semaphore(%arg13 : memref<!tpu.dma_semaphore, #tpu.memory_space<semaphore_mem>>) src(%dma_wait3A_148 : memref<4992xf32, #tpu.memory_space<vmem>>) dst(%dma_wait3A_146 : memref<4992xf32, #tpu.memory_space<hbm>>)
    return
  }
}

module attributes {stable_mosaic.version = 14 : i64} {
  func.func @_norm_body(%arg0: memref<1x320000xf32, #tpu.memory_space<vmem>>, %arg1: memref<32x16xf32, #tpu.memory_space<vmem>>, %arg2: memref<1x320000xf32, #tpu.memory_space<vmem>>) attributes {dimension_semantics = [], scalar_prefetch = 0 : i64, scratch_operands = 0 : i64, tpu.core_type = #tpu.core_type<tc>} {
    %get3A = arith.constant 0 : index
    %get3A_0 = arith.constant 0 : index
    %get3A_1 = vector.load %arg1[%get3A, %get3A_0] : memref<32x16xf32, #tpu.memory_space<vmem>>, vector<32x1xf32>
    %get3A_2 = vector.shape_cast %get3A_1 : vector<32x1xf32> to vector<32xf32>
    %reduce_min3A = vector.shape_cast %get3A_2 : vector<32xf32> to vector<1x32xf32>
    %reduce_min3A_3 = arith.constant dense<0x7F800000> : vector<1xf32>
    %reduce_min3A_4 = vector.multi_reduction <minimumf>, %reduce_min3A, %reduce_min3A_3 [1] : vector<1x32xf32> to vector<1xf32>
    %reduce_min3A_5 = vector.shape_cast %reduce_min3A_4 : vector<1xf32> to vector<1x1xf32>
    %reduce_min3A_6 = vector.extract %reduce_min3A_5[0, 0] : f32 from vector<1x1xf32>
    %get3A_7 = arith.constant 0 : index
    %get3A_8 = arith.constant 1 : index
    %get3A_9 = vector.load %arg1[%get3A_7, %get3A_8] : memref<32x16xf32, #tpu.memory_space<vmem>>, vector<32x1xf32>
    %get3A_10 = vector.shape_cast %get3A_9 : vector<32x1xf32> to vector<32xf32>
    %reduce_max3A = vector.shape_cast %get3A_10 : vector<32xf32> to vector<1x32xf32>
    %reduce_max3A_11 = arith.constant dense<0xFF800000> : vector<1xf32>
    %reduce_max3A_12 = vector.multi_reduction <maximumf>, %reduce_max3A, %reduce_max3A_11 [1] : vector<1x32xf32> to vector<1xf32>
    %reduce_max3A_13 = vector.shape_cast %reduce_max3A_12 : vector<1xf32> to vector<1x1xf32>
    %reduce_max3A_14 = vector.extract %reduce_max3A_13[0, 0] : f32 from vector<1x1xf32>
    %sub3A = arith.subf %reduce_max3A_14, %reduce_min3A_6 : f32
    %div3A = arith.constant 1.000000e+00 : f32
    %div3A_15 = arith.divf %div3A, %sub3A : f32
    %get3A_16 = arith.constant 0 : index
    %get3A_17 = arith.constant 0 : index
    %get3A_18 = vector.load %arg0[%get3A_16, %get3A_17] : memref<1x320000xf32, #tpu.memory_space<vmem>>, vector<1x320000xf32>
    %sub3A_19 = vector.broadcast %reduce_min3A_6 : f32 to vector<1x320000xf32>
    %sub3A_20 = arith.subf %get3A_18, %sub3A_19 : vector<1x320000xf32>
    %mul3A = vector.broadcast %div3A_15 : f32 to vector<1x320000xf32>
    %mul3A_21 = arith.mulf %sub3A_20, %mul3A : vector<1x320000xf32>
    %swap3A = arith.constant 0 : index
    %swap3A_22 = arith.constant 0 : index
    %swap3A_23 = vector.load %arg2[%swap3A, %swap3A_22] : memref<1x320000xf32, #tpu.memory_space<vmem>>, vector<1x320000xf32>
    tpu.vector_store %arg2[%swap3A, %swap3A_22], %mul3A_21 {strides = array<i32>} : memref<1x320000xf32, #tpu.memory_space<vmem>>, vector<1x320000xf32>,
    return
  }
}

module attributes {stable_mosaic.version = 14 : i64} {
  func.func @_pq_body(%arg0: memref<10000x128xf32, #tpu.memory_space<vmem>>, %arg1: memref<2x128xf32, #tpu.memory_space<vmem>>, %arg2: memref<1xf32, #tpu.memory_space<smem>>, %arg3: memref<2x10000xf32, #tpu.memory_space<vmem>>) attributes {dimension_semantics = [], scalar_prefetch = 0 : i64, scratch_operands = 0 : i64, tpu.core_type = #tpu.core_type<tc>} {
    %get3A = arith.constant 0 : index
    %get3A_0 = arith.constant 0 : index
    %get3A_1 = vector.load %arg0[%get3A, %get3A_0] : memref<10000x128xf32, #tpu.memory_space<vmem>>, vector<10000x128xf32>
    %get3A_2 = arith.constant 0 : index
    %get3A_3 = arith.constant 0 : index
    %get3A_4 = vector.load %arg1[%get3A_2, %get3A_3] : memref<2x128xf32, #tpu.memory_space<vmem>>, vector<2x128xf32>
    %dot_general3A = arith.constant dense<0.000000e+00> : vector<2x10000xf32>
    %dot_general3A_5 = tpu.matmul %get3A_4, %get3A_1, %dot_general3A {dimension_numbers = #tpu.dot_dimension_numbers<[1], [1], [0], [0], [0, 0, 1, 0], [], []>, transpose_lhs_hint = false} : vector<2x128xf32>, vector<10000x128xf32>, vector<2x10000xf32> -> vector<2x10000xf32>
    %iota3A = tpu.iota {dimensions = array<i32: 0>} : vector<2x10000xi32>
    %eq3A = arith.constant 0 : i32
    %eq3A_6 = vector.broadcast %eq3A : i32 to vector<2x10000xi32>
    %eq3A_7 = arith.cmpi eq, %iota3A, %eq3A_6 : vector<2x10000xi32>
    %get3A_8 = arith.constant 0 : index
    %get3A_9 = memref.load %arg2[%get3A_8] : memref<1xf32, #tpu.memory_space<smem>>
    %jit3A = arith.constant 0.000000e+00 : f32
    %broadcast_in_dim3A = vector.broadcast %get3A_9 : f32 to vector<2x10000xf32>
    %broadcast_in_dim3A_10 = vector.broadcast %jit3A : f32 to vector<2x10000xf32>
    %select_n3A = arith.select %eq3A_7, %broadcast_in_dim3A, %broadcast_in_dim3A_10 : vector<2x10000xi1>, vector<2x10000xf32>
    %add3A = arith.addf %dot_general3A_5, %select_n3A : vector<2x10000xf32>
    %swap3A = arith.constant 0 : index
    %swap3A_11 = arith.constant 0 : index
    %swap3A_12 = vector.load %arg3[%swap3A, %swap3A_11] : memref<2x10000xf32, #tpu.memory_space<vmem>>, vector<2x10000xf32>
    tpu.vector_store %arg3[%swap3A, %swap3A_11], %add3A {strides = array<i32>} : memref<2x10000xf32, #tpu.memory_space<vmem>>, vector<2x10000xf32>,
    return
  }
}

</mosaic_0001>

<sc_bundles>
// kernel: kernel.5.cloned.1.call-start
scs
__scs_entry_jumppad:
0x0: {  	(pc) =	sbr.rel $0x88, $3  }
0x1: {  	(tag) =	ssettag $0x0;
	lr =	simm.s32 $0x1  }
0x2: {  	[smem:$0x3F9D] =	sst lr;
	_ =	strace $0xD0000000  }
0x3: {  	_ = 	snop  }
0x4: {  	_ = 	snop  }
0x5: {  	_ = 	snop  }
0x6: {  	_ = 	snop  }
0x7: {  	_ = 	snop  }
__scs_overlays_trampoline_lowered:
0x8: {  	[smem:$0x3FAC] =	sst s0  }
0x9: {  	[smem:$0x3FAD] =	sst s1  }
0xa: {  	[smem:$0x3FAE] =	sst s2  }
0xb: {  	[smem:$0x3FAF] =	sst s3  }
0xc: {  	[smem:$0x3FB0] =	sst s4  }
0xd: {  	[smem:$0x3FB1] =	sst s5  }
0xe: {  	[smem:$0x3FB2] =	sst s6  }
0xf: {  	[smem:$0x3FB3] =	sst s7  }
0x10: {  	[smem:$0x3FB4] =	sst s8  }
0x11: {  	[smem:$0x3FB5] =	sst s9;
	s0 =	simm.s32 @!p0 $0x0  }
0x12: {  	s1 =	sld [smem:$0x3F9B];
	s0 =	simm.s32 @p0 $0x1  }
0x13: {  	[smem:$0x3FB6] =	sst s0;
	s0 =	simm.s32 @!p1 $0x0  }
0x14: {  	s2 =	sld [smem:$0x3F9A];
	s0 =	simm.s32 @p1 $0x1  }
0x15: {  	[smem:$0x3FB7] =	sst s0;
	s0 =	simm.s32 @!p2 $0x0  }
0x16: {  	s3 =	sld [smem:$0x3FDB];
	s0 =	simm.s32 @p2 $0x1  }
0x17: {  	s4 =	simm.s32 $0x1BF5;
	[smem:$0x3FB9] =	sst s0  }
0x18: {  	s0 =	sld [smem:$0x3F9C];
	_ =	swait.ge [sflag:s4], $0x0  }
0x19: {  	s7 =	sld [smem:$0x3F9D]  }
0x1a: {  	s8 =	sadd.s32 $0xFFFFE003, lr  }
0x1b: {  	s9 =	sadd.s32 $0xFFFFFEF7, lr;
	s5 =	simm.s32 $0xFFFFFFFF;
	p2 =	slt.u32 s8, $0xFFFFF086  }
0x1c: {  	p1 =	slt.u32 s9, $0xF7A;
	s5 =	simm.s32 @!p2 $0x0  }
0x1d: {  	s5 =	simm.s32 @p1 $0x1;
	p0 =	seq.s32 s7, s2  }
0x1e: {  	s7 =	smul.u32 @!p0 $0xF7A, s2;
	p2 =	seq.s32 @!p0 s5, $0x0  }
0x1f: {  	s9 =	smul.u32 $0xF7A, s1;
	s8 =	simm.s32 @!p0 $0x1BF5;
	p2 =	por !p2, p0  }
0x20: {  	[sflag:s8] =	ssyncset.s32 @!p0 $0xFFFFF086;
	s6 =	sadd.s32 @!p0 s3, s7;
	s7 =	simm.s32 @!p0 $0x108  }
0x21: {  	s3 =	sadd.s32 s3, s9;
	s6 =	sadd.s32 @!p0 $0x88, s6;
	s7 =	simm.s32 @p2 $0x1082  }
0x22: {  	[simem:s7], [sflag:s8] =	dma.local @!p0 [hbm:s6], $0xF7A  }
0x23: {  	s9 =	sor.u32 $0xD0000000, s2;
	s6 =	simm.s32 $0x108;
	_ =	swait.ge @!p0 [sflag:s8], $0x0  }
0x24: {  	s3 =	sadd.s32 $0x88, s3;
	s6 =	simm.s32 @!p1 $0x1082;
	[sflag:s4] =	ssyncset.s32 $0xFFFFF086  }
0x25: {  	[simem:s6], [sflag:s4] =	dma.local [hbm:s3], $0xF7A  }
0x26: {  	[smem:$0x3F9D] =	sst s1;
	(tag) =	ssettag s2;
	_ =	strace s9  }
0x27: {  	s1 =	sld [smem:$0x3FAD]  }
0x28: {  	s2 =	sld [smem:$0x3FAE]  }
0x29: {  	s4 =	sld [smem:$0x3FB0]  }
0x2a: {  	p0 =	seq.s32 s5, $0x0;
	s5 =	sld [smem:$0x3FB1]  }
0x2b: {  	s6 =	sld [smem:$0x3FB2]  }
0x2c: {  	s7 =	sld [smem:$0x3FB3]  }
0x2d: {  	s3 =	simm.s32 $0x108;
	s8 =	sld [smem:$0x3FB4]  }
0x2e: {  	s3 =	simm.s32 @!p0 $0x1082;
	s9 =	sld [smem:$0x3FB5]  }
0x2f: {  	lr =	sadd.s32 s0, s3;
	s0 =	sld [smem:$0x3FAC]  }
0x30: {  	s3 =	sld [smem:$0x3FAF]  }
0x31: {  	[smem:$0x3FB8] =	sst s10  }
0x32: {  	s10 =	sld [smem:$0x3FB6];
	_ =	sdelay $0x3  }
0x33: {  	p0 =	seq.s32 s10, $0x1;
	s10 =	sld [smem:$0x3FB8];
	_ =	sdelay $0x3  }
0x34: {  	[smem:$0x3FB8] =	sst s10  }
0x35: {  	s10 =	sld [smem:$0x3FB7];
	_ =	sdelay $0x3  }
0x36: {  	p1 =	seq.s32 s10, $0x1;
	s10 =	sld [smem:$0x3FB8];
	_ =	sdelay $0x3  }
0x37: {  	[smem:$0x3FB8] =	sst s10  }
0x38: {  	s10 =	sld [smem:$0x3FB9]  }
0x39: {  	_ = 	snop;
	(pc) =	sbr.ind lr, $3  }
0x3a: {  	_ = 	snop  }
0x3b: {  	_ = 	snop  }
0x3c: {  	p2 =	seq.s32 s10, $0x1;
	s10 =	sld [smem:$0x3FB8]  }
0x3d: {  	_ =	shalt  }
0x3e: {  	_ =	shalt  }
0x3f: {  	_ =	shalt  }
0x40: {  	_ =	shalt  }
0x41: {  	_ =	shalt  }
0x42: {  	_ =	shalt  }
0x43: {  	_ =	shalt  }
0x44: {  	_ =	shalt  }
0x45: {  	_ =	shalt  }
0x46: {  	_ =	shalt  }
0x47: {  	_ =	shalt  }
0x48: {  	_ =	shalt  }
0x49: {  	_ =	shalt  }
0x4a: {  	_ =	shalt  }
0x4b: {  	_ =	shalt  }
0x4c: {  	_ =	shalt  }
0x4d: {  	_ =	shalt  }
0x4e: {  	_ =	shalt  }
0x4f: {  	_ =	shalt  }
0x50: {  	_ =	shalt  }
0x51: {  	_ =	shalt  }
0x52: {  	_ =	shalt  }
0x53: {  	_ =	shalt  }
0x54: {  	_ =	shalt  }
0x55: {  	_ =	shalt  }
0x56: {  	_ =	shalt  }
0x57: {  	_ =	shalt  }
0x58: {  	_ =	shalt  }
0x59: {  	_ =	shalt  }
0x5a: {  	_ =	shalt  }
0x5b: {  	_ =	shalt  }
0x5c: {  	_ =	shalt  }
0x5d: {  	_ =	shalt  }
0x5e: {  	_ =	shalt  }
0x5f: {  	_ =	shalt  }
0x60: {  	_ =	shalt  }
0x61: {  	_ =	shalt  }
0x62: {  	_ =	shalt  }
0x63: {  	_ =	shalt  }
0x64: {  	_ =	shalt  }
0x65: {  	_ =	shalt  }
0x66: {  	_ =	shalt  }
0x67: {  	_ =	shalt  }
0x68: {  	_ =	shalt  }
0x69: {  	_ =	shalt  }
0x6a: {  	_ =	shalt  }
0x6b: {  	_ =	shalt  }
0x6c: {  	_ =	shalt  }
0x6d: {  	_ =	shalt  }
0x6e: {  	_ =	shalt  }
0x6f: {  	_ =	shalt  }
0x70: {  	_ =	shalt  }
0x71: {  	_ =	shalt  }
0x72: {  	_ =	shalt  }
0x73: {  	_ =	shalt  }
0x74: {  	_ =	shalt  }
0x75: {  	_ =	shalt  }
0x76: {  	_ =	shalt  }
0x77: {  	_ =	shalt  }
0x78: {  	_ =	shalt  }
0x79: {  	_ =	shalt  }
0x7a: {  	_ =	shalt  }
0x7b: {  	_ =	shalt  }
0x7c: {  	_ =	shalt  }
0x7d: {  	_ =	shalt  }
0x7e: {  	_ =	shalt  }
0x7f: {  	_ =	shalt  }
0x80: {  	_ =	shalt  }
0x81: {  	_ =	shalt  }
0x82: {  	_ =	shalt  }
0x83: {  	_ =	shalt  }
0x84: {  	_ =	shalt  }
0x85: {  	_ =	shalt  }
0x86: {  	_ =	shalt  }
0x87: {  	_ =	shalt  }
.Lfunc_end0:
.L_simem_size_0:
called_computation_lowered:
.L_overlay_start_0:
0x88: {  	s2 =	sld [smem:$0x3FD9]  }
0x89: {  	s3 =	sld [smem:$0x3FFE];
	_ =	sdelay $0x1  }
0x8a: {  	s1 =	srdreg.scid  }
0x8b: {  	s0 =	sand.u32 $0x1, s1  }
0x8c: {  	s17 =	sshll.u32 s0, $0xA;
	s2 =	sadd.s32 s3, s2  }
0x8d: {  	s2 =	sadd.s32 s2, s17  }
0x8e: {  	[smem:$0x3FC4] =	sst s2  }
0x8f: {  	_ = 	snop  }
0x90: {  	s2 =	sld [smem:$0x3FC8]  }
0x91: {  	s18 =	sld [smem:$0x3FD0];
	(tm) =	ssettm $0x1  }
0x92: {  	s4 =	sld [smem:$0x3FFB];
	_ =	sdelay $0x3  }
0x93: {  	_ =	strace s4  }
0x94: {  	s4 =	sld [smem:$0x3FFC];
	_ =	sdelay $0x3  }
0x95: {  	_ =	strace s4  }
0x96: {  	s4 =	sld [smem:$0x3FFD];
	_ =	sdelay $0x3  }
0x97: {  	_ =	strace s4  }
0x98: {  	_ =	strace $0x8FFFFFFF  }
0x99: {  	s19 =	sld [smem:$0x3FDB];
	_ =	sdelay $0x1  }
0x9a: {  	s5 =	simm.s32 $_scs_section_size  }
0x9b: {  	s6 =	simm.s32 $_size__tile_overlayer_lowered;
	s7 =	simm.s32 $_tile_overlayer_lowered  }
0x9c: {  	s22 =	simm.s32 $0x1BFF;
	s21 =	sshll.u32 s7, $0x1;
	s4 =	sadd.s32 s5, s19  }
0x9d: {  	s8 =	simm.s32 $0x0;
	s20 =	sshll.u32 s6, $0x1;
	s6 =	sadd.s32 s21, s4  }
0x9e: {  	[timem:s8], [sflag:s22] =	dma.local [hbm:s6], s20  }
0x9f: {  	_ =	swait.ge [sflag:s22], s20  }
0xa0: {  	s5 =	ssub.s32 $0x0, s20;
	[sflag:s22] =	ssyncset.done $0x0  }
0xa1: {  	[sflag:s22] =	ssyncadd.s32 s5;
	_ =	sdelay $0x1  }
0xa2: {  	s23 =	simm.s32 $0x1B8B  }
0xa3: {  	_ =	swait.ge [sflag:s23], $0x1  }
0xa4: {  	[sflag:s23] =	ssyncset.done $0x0  }
0xa5: {  	s25 =	simm.s32 $0x1B8E;
	s24 =	sld [smem:$0x3FFE];
	[sflag:s23] =	ssyncadd.s32 $0xFFFFFFFF  }
0xa6: {  	s26 =	simm.s32 $execute0_lowered;
	[smem:$0x3FD2] =	sst s25  }
0xa7: {  	s6 =	sshll.u32 s26, $0x1;
	_ =	strace $0x80000046;
	[dreg:$0x1] =	wrdreg $0xFFFFFFFF  }
0xa8: {  	s28 =	simm.s32 $_size_execute0_lowered;
	s4 =	sadd.s32 s4, s6;
	[dreg:$0x0] =	wrdreg $0x0  }
0xa9: {  	s6 =	sshll.u32 s28, $0x1;
	[dreg:$0x2] =	wrdreg s4  }
0xaa: {  	[dreg:$0x3] =	wrdreg s6  }
0xab: {  	[dreg:$0x4] =	wrdreg $0xC0  }
0xac: {  	_ =	task [dreg:s8], $0x5FFFF  }
0xad: {  	[dreg:$0x1] =	wrdreg $0xFFFFFFFF  }
0xae: {  	[dreg:$0x0] =	wrdreg $0x60  }
0xaf: {  	[dreg:$0x2] =	wrdreg s24  }
0xb0: {  	[dreg:$0x3] =	wrdreg s2  }
0xb1: {  	[dreg:$0x4] =	wrdreg s18  }
0xb2: {  	[dreg:$0x5] =	wrdreg $0x9  }
0xb3: {  	_ =	task.clear_ibuf [dreg:s8], $0x6FFFF;
	_ =	strace $0x90000046  }
0xb4: {  	s29 =	simm.s32 $0x9;
	_ =	strace $0x80000048  }
0xb5: {  	_ =	swait.ge [sflag:s29], $0x1  }
0xb6: {  	[sflag:s29] =	ssyncadd.s32 $0xFFFFFFFF  }
0xb7: {  	_ =	strace $0x90000048  }
0xb8: {  	_ =	sfence  }
0xb9: {  	s30 =	sld [smem:$0x0];
	_ =	sdelay $0x2  }
0xba: {  	s31 =	sshll.u32 s1, $0xD;
	s1 =	sshrl.u32 s1, $0x2  }
0xbb: {  	s3 =	sand.u32 $0x4000, s31;
	s1 =	sadd.s32 s1, s30  }
0xbc: {  	s0 =	sor.u32 s3, s0;
	s1 =	sshll.u32 s1, $0x11  }
0xbd: {  	s0 =	sor.u32 s1, s0  }
0xbe: {  	s0 =	sadd.s32 $0x8F2B, s0  }
0xbf: {  	[sflag:s0] =	ssyncadd.remote.s32 $0x1  }
0xc0: {  	_ =	sfence.sel $0xFFFF  }
0xc1: {  	[dreg:$0x0] =	wrdreg $0xFFFFFFFF;
	(pc) =	sbr.abs _section_cstart, $3  }
0xc2: {  	[dreg:$0x1] =	wrdreg $0xFFFFFFFF  }
0xc3: {  	_ =	task.clear_ibuf [dreg:s8], $0x2FFFF;
	_ =	strace $0x9FFFFFFF  }
0xc4: {  	(tm) =	ssettm $0x7FFFFFFF  }
0xc5: {  	_ =	shalt  }
tec
execute0_lowered:
.L_overlay_start_1:
0x0: {  	(tag) =	ssettag $0x1  }
0x1: {  	s4 =	rddreg [dreg:$0x0]  }
0x2: {  	s6 =	rddreg [dreg:$0x1];
	s1 =	srdreg.scid  }
0x3: {  	s0 =	stileid.u32;
	s8 =	rddreg [dreg:$0x2]  }
0x4: {  	s2 =	simm.s32 $0x0;
	s13 =	simm.s32 $0x2780;
	s16 =	simm.s32 $0x1  }
0x5: {  	s17 =	simm.s32 $0x9E00;
	s18 =	simm.s32 $0x2;
	s21 =	simm.s32 $0x4  }
0x6: {  	s22 =	simm.s32 $0x3;
	s3 =	sand.u32 $0x1, s1;
	s5 =	sshll.u32 s0, $0x1  }
0x7: {  	s23 =	simm.s32 $0x0;
	[smem:$0x7FF] =	sst s2;
	s5 =	sor.u32 s3, s5  }
0x8: {  	s25 =	sadd.s32 $0x1200, s4;
	s30 =	sadd.s32 $0x1210, s4;
	s7 =	smul.u32 $0x975, s5  }
0x9: {  	_ =	strace $0x80000047;
	s9 =	ssub.s32 $0x2, s3;
	[dreg:$0x4] =	wrdreg s25  }
0xa: {  	s5 =	sshll.u32 s5, $0x4;
	s26 =	sshrl.u32 s9, $0x1;
	s7 =	smulhi.u32 $0x8421085, s7  }
0xb: {  	[dreg:$0x5] =	wrdreg s30;
	s10 =	sadd.s32 s5, s4;
	s11 =	ssub.s32 s9, s26  }
0xc: {  	s28 =	sshll.u32 s7, $0x5;
	s29 =	sadd.s32 $0x28, s7;
	s7 =	sshll.u32 s7, $0x4  }
0xd: {  	s31 =	sadd.s32 s6, s28;
	s12 =	sshll.u32 s29, $0x5;
	s9 =	sshll.u32 s29, $0x4  }
0xe: {  	s7 =	sadd.s32 s8, s7;
	[dreg:$0x6] =	wrdreg s31;
	s12 =	sand.u32 $0x1FFFFFE0, s12  }
0xf: {  	s8 =	sadd.s32 s8, s9;
	s9 =	sadd.s32 $0x1C00, s10;
	s10 =	smax.u32 s11, $0x1  }
0x10: {  	vm0 =	vcmask $0x308;
	s11 =	simm.s32 $0x80;
	s6 =	sadd.s32 s6, s12;
	s12 =	simm.s32 $0x100  }
.LBB2_1:
0x11: {  	s0 =	rddreg [dreg:$0x4]  }
0x12: {  	[tilespmem:s2], [sflag:$0x1] =	stream.strided.gather [hbm4b:s0+s11], $0x2780, s12, s11, $0x38;
	[tilespmem:$0xC600] =	vst v63  }
0x13: {  	s4 =	rddreg [dreg:$0x5]  }
0x14: {  	[tilespmem:s13], [sflag:$0x1] =	stream.strided.gather [hbm4b:s4+s11], $0x2780, s12, s11, $0x38;
	[tilespmem:$0xC600] =	vst v63  }
0x15: {  	s5 =	rddreg [dreg:$0x6];
	s1 =	simm.s32 $0x4F00  }
0x16: {  	[tilespmem:s1], [sflag:$0x1] =	stream.linear.gather [hbm4b:s5+s2], $0x2800, $0x38;
	[tilespmem:$0xC600] =	vst v63  }
0x17: {  	s14 =	simm.s32 $0x7700  }
0x18: {  	[tilespmem:s14], [sflag:$0x2] =	stream.linear.gather [hbm4b:s6+s2], $0x2700, $0x38;
	[tilespmem:$0xC600] =	vst v63  }
0x19: {  	_ =	swait.ge [sflag:s16], $0x2800  }
0x1a: {  	[sflag:s16] =	ssyncset.done $0x0  }
0x1b: {  	[sflag:s16] =	ssyncadd.s32 $0xFFFFD800  }
0x1c: {  	_ =	swait.ge [sflag:s16], $0x2780  }
0x1d: {  	[sflag:s16] =	ssyncset.done $0x0  }
0x1e: {  	[sflag:s16] =	ssyncadd.s32 $0xFFFFD880  }
0x1f: {  	s24 =	sand.u32 $0x40, s2;
	s25 =	sand.u32 $0x3F00, s2;
	_ =	swait.ge [sflag:s16], $0x2780  }
0x20: {  	s25 =	sadd.s32 $0x4F00, s25;
	s26 =	sor.u32 $0x30, s24;
	[sflag:s16] =	ssyncset.done $0x0  }
0x21: {  	s28 =	sor.u32 $0x20, s24;
	s29 =	sor.u32 s26, s25;
	[sflag:s16] =	ssyncadd.s32 $0xFFFFD880  }
0x22: {  	s30 =	sor.u32 $0x10, s24;
	s31 =	sor.u32 s28, s25;
	v0 =	vld [tilespmem:s29+$0x0]  }
0x23: {  	s15 =	sor.u32 s30, s25;
	v1 =	vld [tilespmem:s31+$0x0]  }
0x24: {  	s24 =	sor.u32 s24, s25;
	v2 =	vld [tilespmem:s15+$0x0]  }
0x25: {  	v3 =	vld [tilespmem:s24+$0x0]  }
0x26: {  	s19 =	simm.s32 $0x80;
	s20 =	simm.s32 $0x40;
	v4 =	vld [tilespmem:s24+$0x80]  }
0x27: {  	s0 =	sand.u32 $0x40, s20;
	s1 =	sand.u32 $0x3F00, s19;
	v5 =	vld [tilespmem:s15+$0x80]  }
0x28: {  	s1 =	sadd.s32 $0x4F00, s1;
	s14 =	sor.u32 $0x10, s0;
	v6 =	vld [tilespmem:s31+$0x80]  }
0x29: {  	s19 =	sor.u32 s14, s1;
	v7 =	vld [tilespmem:s29+$0x80];
	s29 =	sor.u32 $0x30, s0  }
0x2a: {  	s31 =	sor.u32 $0x20, s0;
	v13 =	vld [tilespmem:s19+$0x0];
	s3 =	sor.u32 s29, s1  }
0x2b: {  	s15 =	sor.u32 s31, s1;
	v11 =	vld [tilespmem:s3+$0x0]  }
0x2c: {  	s1 =	sor.u32 s0, s1;
	v12 =	vld [tilespmem:s15+$0x0]  }
0x2d: {  	v14 =	vld [tilespmem:s1+$0x0]  }
0x2e: {  	v0 =	vld.idx.msk [tilespmem:v0+s2+$0x0], $0xffff  }
0x2f: {  	v1 =	vld.idx.msk [tilespmem:v1+s2+$0x0], $0xffff  }
0x30: {  	v2 =	vld.idx.msk [tilespmem:v2+s2+$0x0], $0xffff  }
0x31: {  	v3 =	vld.idx.msk [tilespmem:v3+s2+$0x0], $0xffff  }
0x32: {  	v8 =	vld.idx.msk [tilespmem:v4+s13+$0x0], $0xffff  }
0x33: {  	v9 =	vld.idx.msk [tilespmem:v5+s13+$0x0], $0xffff  }
0x34: {  	v10 =	vld.idx.msk [tilespmem:v6+s13+$0x0], $0xffff  }
0x35: {  	v7 =	vld.idx.msk [tilespmem:v7+s13+$0x0], $0xffff  }
0x36: {  	v15 =	vld [tilespmem:s1+$0x80]  }
0x37: {  	v4 =	vld [tilespmem:s19+$0x80]  }
0x38: {  	v5 =	vld [tilespmem:s15+$0x80]  }
0x39: {  	v16 =	vimm.f32 $-Inf;
	s4 =	sand.u32 $0x1F80, s2;
	v6 =	vld [tilespmem:s3+$0x80];
	v3 =	vadd.f32 v8, v3;
	v9 =	vadd.f32 v9, v2  }
0x3a: {  	s1 =	sadd.s32 $0x9E00, s4;
	v8 =	vimm.f32 $+Inf;
	v2 =	vld.idx.msk [tilespmem:v11+s2+$0x0], $0xffff;
	v1 =	vadd.f32 v10, v1;
	v10 =	vadd.f32 v7, v0  }
0x3b: {  	s5 =	sor.u32 s30, s1;
	s30 =	simm.s32 $0x100;
	s19 =	sand.u32 $0x1F80, s20;
	v7 =	vld.idx.msk [tilespmem:v13+s2+$0x0], $0xffff;
	[tilespmem:s17+$0x0] =	vst v3;
	v8 =	vmin.f32 v8, v3;
	v11 =	vmax.f32 v16, v3  }
0x3c: {  	s20 =	sor.u32 s26, s1;
	s1 =	sor.u32 s28, s1;
	s15 =	sadd.s32 $0x9E00, s19;
	[tilespmem:s5+$0x0] =	vst v9;
	v3 =	vld.idx.msk [tilespmem:v12+s2+$0x0], $0xffff;
	v8 =	vmin.f32 v8, v9;
	v9 =	vmax.f32 v11, v9  }
0x3d: {  	s28 =	simm.s32 $0x4;
	s24 =	sor.u32 s29, s15;
	s25 =	sor.u32 s31, s15;
	[tilespmem:s1+$0x0] =	vst v1;
	v0 =	vmin.f32 v8, v1;
	v1 =	vmax.f32 v9, v1;
	v8 =	vld.idx.msk [tilespmem:v14+s2+$0x0], $0xffff  }
0x3e: {  	s26 =	sor.u32 s14, s15;
	s31 =	simm.s32 $0x80;
	s29 =	simm.s32 $0x9E00;
	[tilespmem:s20+$0x0] =	vst v10;
	v9 =	vld.idx.msk [tilespmem:v15+s13+$0x0], $0xffff;
	v0 =	vmin.f32 v0, v10;
	v1 =	vmax.f32 v1, v10  }
.LBB2_2:
0x3f: {  	s0 =	sand.u32 $0x40, s31;
	s1 =	sand.u32 $0x3F00, s30;
	s14 =	sand.u32 $0x1F80, s31;
	v4 =	vld.idx.msk [tilespmem:v4+s13+$0x0], $0xffff  }
0x40: {  	s1 =	sadd.s32 $0x4F00, s1;
	s14 =	sadd.s32 $0x9E00, s14;
	s15 =	sor.u32 $0x30, s0;
	v5 =	vld.idx.msk [tilespmem:v5+s13+$0x0], $0xffff  }
0x41: {  	s19 =	sor.u32 $0x20, s0;
	s20 =	sor.u32 s15, s1;
	s15 =	sor.u32 s15, s14;
	v6 =	vld.idx.msk [tilespmem:v6+s13+$0x0], $0xffff  }
0x42: {  	s3 =	sor.u32 $0x10, s0;
	s4 =	sor.u32 s19, s1;
	s19 =	sor.u32 s19, s14;
	v10 =	vld [tilespmem:s20+$0x0]  }
0x43: {  	s28 =	sadd.s32 $0x4, s28;
	s5 =	sor.u32 s3, s1;
	s3 =	sor.u32 s3, s14;
	v11 =	vld [tilespmem:s4+$0x0]  }
0x44: {  	p0 =	slt.u32 s28, $0x13C;
	s0 =	sor.u32 s0, s1;
	v8 =	vadd.f32 v9, v8;
	v12 =	vld [tilespmem:s5+$0x0]  }
0x45: {  	s29 =	sadd.s32 $0x40, s29;
	v7 =	vadd.f32 v4, v7;
	v9 =	vld [tilespmem:s0+$0x0]  }
0x46: {  	v0 =	vmin.f32 v0, v8;
	v1 =	vmax.f32 v1, v8;
	v3 =	vadd.f32 v5, v3;
	v13 =	vld [tilespmem:s0+$0x80];
	[tilespmem:s29+$0x0] =	vst v8  }
0x47: {  	v0 =	vmin.f32 v0, v7;
	v1 =	vmax.f32 v1, v7;
	v2 =	vadd.f32 v6, v2;
	v4 =	vld [tilespmem:s5+$0x80];
	[tilespmem:s26+$0x0] =	vst v7;
	s26 =	smov.u32 s3  }
0x48: {  	v0 =	vmin.f32 v0, v3;
	v1 =	vmax.f32 v1, v3;
	v5 =	vld [tilespmem:s4+$0x80];
	[tilespmem:s25+$0x0] =	vst v3;
	s25 =	smov.u32 s19  }
0x49: {  	v0 =	vmin.f32 v0, v2;
	v1 =	vmax.f32 v1, v2;
	v6 =	vld [tilespmem:s20+$0x80];
	[tilespmem:s24+$0x0] =	vst v2;
	s24 =	smov.u32 s15  }
.Ltmp0:
0x4a: {  	v2 =	vld.idx.msk [tilespmem:v10+s2+$0x0], $0xffff;
	(pc) =	sbr.rel @p0 .LBB2_2-.Ltmp0, $4  }
0x4b: {  	v3 =	vld.idx.msk [tilespmem:v11+s2+$0x0], $0xffff  }
0x4c: {  	v7 =	vld.idx.msk [tilespmem:v12+s2+$0x0], $0xffff  }
0x4d: {  	v8 =	vld.idx.msk [tilespmem:v9+s2+$0x0], $0xffff  }
0x4e: {  	s30 =	sadd.s32 $0x80, s30;
	s31 =	sadd.s32 $0x40, s31;
	v9 =	vld.idx.msk [tilespmem:v13+s13+$0x0], $0xffff  }
0x4f: {  	_ =	sdelay $0x3  }
0x50: {  	v4 =	vld.idx.msk [tilespmem:v4+s13+$0x0], $0xffff  }
0x51: {  	v5 =	vld.idx.msk [tilespmem:v5+s13+$0x0], $0xffff  }
0x52: {  	v6 =	vld.idx.msk [tilespmem:v6+s13+$0x0], $0xffff;
	_ =	sdelay $0x1  }
0x53: {  	v8 =	vadd.f32 v9, v8  }
0x54: {  	s0 =	sadd.s32 $0x40, s29;
	v4 =	vadd.f32 v4, v7  }
0x55: {  	v3 =	vadd.f32 v5, v3;
	[tilespmem:s0+$0x0] =	vst v8  }
0x56: {  	s1 =	simm.s32 $0x1420;
	v5 =	vadd.f32 v6, v2;
	[tilespmem:s26+$0x0] =	vst v4  }
0x57: {  	s3 =	simm.s32 $0x2840;
	s4 =	simm.s32 $0x1430;
	s5 =	simm.s32 $0x0;
	[tilespmem:s25+$0x0] =	vst v3  }
0x58: {  	s14 =	simm.s32 $0x1410;
	s15 =	simm.s32 $0x2820;
	s19 =	simm.s32 $0x2800;
	[tilespmem:s24+$0x0] =	vst v5  }
0x59: {  	[hbm4b:s7+s2] =	stream.linear.scatter [tilespmem:s17], [sflag:$0x3], $0x1400, $0x38;
	[tilespmem:$0xC600] =	vst v63  }
0x5a: {  	s4 =	sand.u32 $0x70, s4;
	s25 =	simm.s32 $0x2860;
	_ =	swait.ge [sflag:s18], $0x2700  }
0x5b: {  	s1 =	sand.u32 $0x60, s1;
	s0 =	sand.u32 $0x7F00, s25;
	[sflag:s18] =	ssyncset.done $0x0  }
0x5c: {  	s3 =	sand.u32 $0x7F00, s3;
	s0 =	sor.u32 s4, s0;
	[sflag:s18] =	ssyncadd.s32 $0xFFFFD900  }
0x5d: {  	s30 =	sand.u32 $0x7F00, s15;
	s1 =	sor.u32 s1, s3;
	s26 =	sand.u32 $0x50, s14;
	v2 =	vld [tilespmem:s0+$0x4F00]  }
0x5e: {  	s31 =	sand.u32 $0x7F00, s19;
	s3 =	sand.u32 $0x40, s5;
	s4 =	sor.u32 s26, s30;
	v6 =	vld [tilespmem:s1+$0x4F00]  }
0x5f: {  	s5 =	sor.u32 s3, s31;
	v7 =	vld [tilespmem:s4+$0x4F00]  }
0x60: {  	v9 =	vld [tilespmem:s5+$0x4F00]  }
0x61: {  	s15 =	simm.s32 $0x28E0;
	s19 =	simm.s32 $0x1460;
	v10 =	vld [tilespmem:s5+$0x4F80]  }
0x62: {  	s31 =	simm.s32 $0x28A0;
	s24 =	simm.s32 $0x28C0;
	s25 =	simm.s32 $0x1470;
	v11 =	vld [tilespmem:s4+$0x4F80]  }
0x63: {  	s30 =	simm.s32 $0x1450;
	v13 =	vld [tilespmem:s0+$0x4F80];
	s0 =	sand.u32 $0x7F00, s15;
	s5 =	sand.u32 $0x70, s25  }
0x64: {  	v12 =	vld [tilespmem:s1+$0x4F80];
	s1 =	sand.u32 $0x60, s19;
	s4 =	sand.u32 $0x7F00, s24;
	s0 =	sor.u32 s5, s0  }
0x65: {  	s15 =	sand.u32 $0x50, s30;
	s24 =	sand.u32 $0x7F00, s31;
	s1 =	sor.u32 s1, s4;
	v62 =	vld [tilespmem:s0+$0x4F00]  }
0x66: {  	s5 =	sor.u32 s15, s24;
	v63 =	vld [tilespmem:s1+$0x4F00]  }
0x67: {  	v16 =	vld [tilespmem:s5+$0x4F00]  }
0x68: {  	v14 =	vld.idx.msk [tilespmem:v2+s2+$0x0], $0xffff  }
0x69: {  	v15 =	vld.idx.msk [tilespmem:v6+s2+$0x0], $0xffff  }
0x6a: {  	v6 =	vld.idx.msk [tilespmem:v7+s2+$0x0], $0xffff  }
0x6b: {  	v2 =	vld.idx.msk [tilespmem:v9+s2+$0x0], $0xffff  }
0x6c: {  	v7 =	vld.idx.msk [tilespmem:v10+s13+$0x0], $0xffff  }
0x6d: {  	s20 =	simm.s32 $0x2880;
	s26 =	simm.s32 $0x40;
	v9 =	vld.idx.msk [tilespmem:v11+s13+$0x0], $0xffff  }
0x6e: {  	s25 =	sand.u32 $0x40, s26;
	s26 =	sand.u32 $0x7F00, s20;
	v10 =	vld.idx.msk [tilespmem:v12+s13+$0x0], $0xffff  }
0x6f: {  	s14 =	sor.u32 s25, s26;
	v11 =	vld.idx.msk [tilespmem:v13+s13+$0x0], $0xffff  }
0x70: {  	v0 =	vmin.f32 v0, v8;
	v8 =	vmax.f32 v1, v8;
	v1 =	vld [tilespmem:s14+$0x4F00]  }
0x71: {  	v0 =	vmin.f32 v0, v4;
	v4 =	vmax.f32 v8, v4;
	s30 =	simm.s32 $0x1400;
	v8 =	vadd.f32 v7, v2;
	v2 =	vld [tilespmem:s14+$0x4F80]  }
0x72: {  	v0 =	vmin.f32 v0, v3;
	v3 =	vmax.f32 v4, v3;
	s15 =	sand.u32 $0x3F80, s30;
	v4 =	vadd.f32 v9, v6;
	v6 =	vld [tilespmem:s5+$0x4F80]  }
0x73: {  	v0 =	vmin.f32 v0, v5;
	v3 =	vmax.f32 v3, v5;
	s3 =	sor.u32 s3, s15;
	v7 =	vld [tilespmem:s1+$0x4F80];
	v5 =	vadd.f32 v10, v15  }
0x74: {  	s24 =	simm.s32 $0xB230;
	v10 =	vadd.f32 v11, v14;
	[tilespmem:s3+$0x9E00] =	vst v8;
	v0 =	vmin.f32 v0, v8;
	v3 =	vmax.f32 v3, v8;
	v8 =	vld [tilespmem:s0+$0x4F80]  }
0x75: {  	s26 =	simm.s32 $0x1440;
	[tilespmem:s24+$0xFFFFFFE0] =	vst v4;
	v9 =	vmin.f32 v0, v4;
	v3 =	vmax.f32 v3, v4;
	v0 =	vld.idx.msk [tilespmem:v62+s2+$0x0], $0xffff  }
0x76: {  	s31 =	sand.u32 $0x3F80, s26;
	[tilespmem:s24+$0xFFFFFFF0] =	vst v5;
	v4 =	vld.idx.msk [tilespmem:v63+s2+$0x0], $0xffff;
	v9 =	vmin.f32 v9, v5;
	v5 =	vmax.f32 v3, v5  }
0x77: {  	s28 =	simm.s32 $0x4;
	s29 =	simm.s32 $0x2960;
	s25 =	sor.u32 s25, s31;
	[tilespmem:s24+$0x0] =	vst v10;
	v3 =	vmin.f32 v9, v10;
	v5 =	vmax.f32 v5, v10;
	v9 =	vld.idx.msk [tilespmem:v16+s2+$0x0], $0xffff  }
.LBB2_4:
0x78: {  	s0 =	sand.u32 $0x7F00, s29;
	v1 =	vld.idx.msk [tilespmem:v1+s2+$0x0], $0xffff;
	s26 =	sadd.s32 $0x40, s26  }
0x79: {  	s3 =	sadd.s32 $0xFFFFFFE0, s29;
	s1 =	sadd.s32 $0x20, s26;
	s4 =	sadd.s32 $0x30, s26;
	v2 =	vld.idx.msk [tilespmem:v2+s13+$0x0], $0xffff  }
0x7a: {  	s15 =	sadd.s32 $0xFFFFFFC0, s29;
	s5 =	sadd.s32 $0xFFFFEC00, s26;
	s14 =	sadd.s32 $0x10, s26;
	v6 =	vld.idx.msk [tilespmem:v6+s13+$0x0], $0xffff  }
0x7b: {  	s19 =	sadd.s32 $0xFFFFFFA0, s29;
	s1 =	sand.u32 $0x60, s1;
	s4 =	sand.u32 $0x70, s4;
	v7 =	vld.idx.msk [tilespmem:v7+s13+$0x0], $0xffff  }
0x7c: {  	s3 =	sand.u32 $0x7F00, s3;
	s14 =	sand.u32 $0x50, s14;
	s0 =	sor.u32 s4, s0;
	v8 =	vld.idx.msk [tilespmem:v8+s13+$0x0], $0xffff  }
0x7d: {  	s4 =	sand.u32 $0x40, s5;
	s5 =	sand.u32 $0x7F00, s15;
	s1 =	sor.u32 s1, s3;
	v10 =	vld [tilespmem:s0+$0x4F00]  }
0x7e: {  	s28 =	sadd.s32 $0x4, s28;
	s3 =	sand.u32 $0x7F00, s19;
	s5 =	sor.u32 s14, s5;
	v11 =	vld [tilespmem:s1+$0x4F00]  }
0x7f: {  	p0 =	slt.u32 s28, $0x134;
	s3 =	sor.u32 s4, s3;
	s14 =	sand.u32 $0x3F80, s26;
	v13 =	vadd.f32 v2, v1;
	v12 =	vld [tilespmem:s5+$0x4F00]  }
0x80: {  	s4 =	sor.u32 s4, s14;
	v9 =	vadd.f32 v6, v9;
	v1 =	vld [tilespmem:s3+$0x4F00]  }
0x81: {  	s24 =	sadd.s32 $0x40, s24;
	v3 =	vmin.f32 v3, v13;
	v5 =	vmax.f32 v5, v13;
	v4 =	vadd.f32 v7, v4;
	v2 =	vld [tilespmem:s3+$0x4F80];
	[tilespmem:s25+$0x9E00] =	vst v13;
	s25 =	smov.u32 s4  }
0x82: {  	v3 =	vmin.f32 v3, v9;
	v5 =	vmax.f32 v5, v9;
	v0 =	vadd.f32 v8, v0;
	v6 =	vld [tilespmem:s5+$0x4F80];
	[tilespmem:s24+$0xFFFFFFE0] =	vst v9  }
.Ltmp1:
0x83: {  	v3 =	vmin.f32 v3, v4;
	v7 =	vld [tilespmem:s1+$0x4F80];
	[tilespmem:s24+$0xFFFFFFF0] =	vst v4;
	v4 =	vmax.f32 v5, v4;
	(pc) =	sbr.rel @p0 .LBB2_4-.Ltmp1, $4  }
0x84: {  	v3 =	vmin.f32 v3, v0;
	v8 =	vld [tilespmem:s0+$0x4F80];
	[tilespmem:s24+$0x0] =	vst v0;
	v5 =	vmax.f32 v4, v0  }
0x85: {  	v0 =	vld.idx.msk [tilespmem:v10+s2+$0x0], $0xffff  }
0x86: {  	v4 =	vld.idx.msk [tilespmem:v11+s2+$0x0], $0xffff  }
0x87: {  	s29 =	sadd.s32 $0x80, s29;
	v9 =	vld.idx.msk [tilespmem:v12+s2+$0x0], $0xffff  }
0x88: {  	_ =	sdelay $0x3  }
0x89: {  	v1 =	vld.idx.msk [tilespmem:v1+s2+$0x0], $0xffff  }
0x8a: {  	v2 =	vld.idx.msk [tilespmem:v2+s13+$0x0], $0xffff  }
0x8b: {  	v6 =	vld.idx.msk [tilespmem:v6+s13+$0x0], $0xffff  }
0x8c: {  	v7 =	vld.idx.msk [tilespmem:v7+s13+$0x0], $0xffff  }
0x8d: {  	v8 =	vld.idx.msk [tilespmem:v8+s13+$0x0], $0xffff;
	_ =	sdelay $0x1  }
0x8e: {  	v1 =	vadd.f32 v2, v1  }
0x8f: {  	v59 =	vadd.f32 v6, v9  }
0x90: {  	v4 =	vadd.f32 v7, v4;
	v5 =	vmax.f32 v5, v1  }
0x91: {  	v0 =	vadd.f32 v8, v0;
	v3 =	vmin.f32 v3, v1;
	v5 =	vmax.f32 v5, v59  }
0x92: {  	v3 =	vmin.f32 v3, v59;
	v5 =	vmax.f32 v5, v4  }
0x93: {  	v3 =	vmin.f32 v3, v4;
	v5 =	vmax.f32 v5, v0  }
0x94: {  	v3 =	vmin.f32 v3, v0;
	(xrf0) =	vmax.scan.msk.f32 $0xffff, v5  }
0x95: {  	(xrf0) =	vmin.scan.msk.f32 $0xffff, v3;
	_ =	sdelay $0x4  }
0x96: {  	v60, _, _ =	vpop (xrf0)  }
0x97: {  	s0 =	sadd.s32 $0x40, s24;
	[tilespmem:s25+$0x9E00] =	vst v1;
	v61, _, _ =	vpop (xrf0)  }
0x98: {  	[tilespmem:s0+$0xFFFFFFE0] =	vst v59;
	v62 =	vbroadcast v60, $0xF;
	v1 =	vbroadcast v61, $0xF  }
0x99: {  	[tilespmem:s0+$0xFFFFFFF0] =	vst v4  }
0x9a: {  	[tilespmem:s0+$0x0] =	vst v0;
	v63 =	vsel vm0, v1, v62  }
0x9b: {  	s30 =	simm.s32 $0xB200;
	[tilespmem:$0xC580] =	vst v63  }
0x9c: {  	[hbm4b:s8+s2] =	stream.linear.scatter [tilespmem:s30], [sflag:$0x3], $0x1380, $0x38;
	[tilespmem:$0xC600] =	vst v63  }
0x9d: {  	s31 =	simm.s32 $0xC580  }
0x9e: {  	[hbm4b:s9+s2] =	stream.linear.scatter [tilespmem:s31], [sflag:$0x4], $0x80, $0x38;
	[tilespmem:$0xC600] =	vst v63  }
0x9f: {  	_ =	swait.ge [sflag:s21], $0x80  }
0xa0: {  	[sflag:s21] =	ssyncset.done $0x0  }
0xa1: {  	s23 =	sadd.s32 $0x1, s23;
	[sflag:s21] =	ssyncadd.s32 $0xFFFFFF80  }
0xa2: {  	p0 =	sne.s32 s23, s10;
	_ =	swait.ge [sflag:s22], $0x1400  }
.Ltmp2:
0xa3: {  	[sflag:s22] =	ssyncset.done $0x0;
	(pc) =	sbr.rel @p0 .LBB2_1-.Ltmp2, $4  }
0xa4: {  	[sflag:s22] =	ssyncadd.s32 $0xFFFFEC00  }
0xa5: {  	_ =	swait.ge [sflag:s22], $0x1380  }
0xa6: {  	[sflag:s22] =	ssyncset.done $0x0  }
0xa7: {  	[sflag:s22] =	ssyncadd.s32 $0xFFFFEC80  }
0xa8: {  	_ =	sfence.sel $0x180000  }
0xa9: {  	[bflag:$0x0] =	sbarrier.arrive $0xFFFF  }
0xaa: {  	_ =	strace $0x90000047  }
0xab: {  	s0 =	stileid.u32;
	[bflag:$0x2] =	sbarrier.arrive $0xFFFF  }
0xac: {  	p0 =	sne.s32 s0, $0x0;
	s0 =	rddreg [dreg:$0x3]  }
0xad: {  	s0 =	sadd.s32 @!p0 $0x100000, s0  }
0xae: {  	[sflag:s0] =	ssyncadd.tile.s32 @!p0 $0x1;
	_ =	shalt  }
.Lfunc_end2:
_tile_overlayer_lowered:
.L_overlay_start_2:
0xaf: {  	(tag) =	ssettag $0x2  }
0xb0: {  	s0 =	rddreg [dreg:$0x0];
	s2 =	stileid.u32  }
0xb1: {  	s1 =	rddreg [dreg:$0x1];
	p0 =	sne.s32 s2, $0x0  }
0xb2: {  	s3 =	rddreg [dreg:$0x2];
	[bflag:$0x3] =	sbarrier.arrive $0xFFFF;
	s2 =	simm.s32 @!p0 $0x1C04  }
0xb3: {  	[timem:s3], [sflag:s2] =	dma.local @!p0 [hbm:s0], s1  }
0xb4: {  	s0 =	simm.s32 @!p0 $0x4  }
0xb5: {  	_ =	swait.ge @!p0 [sflag:s0], s1  }
0xb6: {  	s1 =	ssub.s32 @!p0 $0x0, s1;
	[sflag:s0] =	ssyncset.done @!p0 $0x0  }
0xb7: {  	[sflag:s0] =	ssyncadd.s32 @!p0 s1  }
0xb8: {  	[bflag:$0x3] =	sbarrier.arrive $0xFFFF  }
0xb9: {  	_ =	shalt  }

</sc_bundles>
